<compile_context>
chip_gen: v7x
topology: tpu7x:2x2x1
jax: 0.10.2.dev20260603
libtpu: 0.0.44.dev20260713+nightly
codegen_flags: <defaults>
</compile_context>

<pallas_src>
import functools

import jax
import jax.numpy as jnp
from jax import lax
from jax.experimental import pallas as pl
from jax.experimental.pallas import tpu as pltpu
from jax.experimental.pallas import tpu_sc as plsc

N = 100000
D = 128
G = 112
GPS = 4
SC_ROWS = G * GPS
NC, NS = 2, 16
NW = NC * NS
SPW = 7
RPW = SPW * SC_ROWS
NFULL = N // SC_ROWS
TAIL = N - NFULL * SC_ROWS
LASTW = NW - 1
LASTW_ROWS = N - LASTW * RPW

_mesh = plsc.VectorSubcoreMesh(core_axis_name="c", subcore_axis_name="s")


@functools.partial(
    pl.kernel,
    mesh=_mesh,
    out_type=jax.ShapeDtypeStruct((N, D), jnp.float32),
    scratch_types=[
        pltpu.VMEM((RPW,), jnp.int32),
        pltpu.VMEM((2, SC_ROWS, D), jnp.float32),
        pltpu.VMEM_SHARED((28, D), jnp.float32),
        pltpu.SemaphoreType.DMA,
        pltpu.SemaphoreType.DMA,
    ],
)
def _emb_lookup(idx_hbm, table_hbm, out_hbm, idx_v, rows_v, table_v,
                gsem, ssem):
    sid = lax.axis_index("s")
    wid = sid * NC + lax.axis_index("c")

    @pl.when(sid == 0)
    def _stage_table():
        pltpu.sync_copy(table_hbm, table_v)

    base = pl.multiple_of(wid * RPW, 8)

    @pl.when(wid < LASTW)
    def _stage_idx():
        pltpu.sync_copy(idx_hbm.at[pl.ds(base, RPW)], idx_v)

    @pl.when(wid == LASTW)
    def _stage_idx_last():
        pltpu.sync_copy(idx_hbm.at[pl.ds(base, LASTW_ROWS)],
                        idx_v.at[pl.ds(0, LASTW_ROWS)])

    plsc.subcore_barrier()

    def fire_gathers(t, pb):
        chunk = wid * SPW + t

        @pl.when(chunk < NFULL)
        def _():
            for j in range(GPS):
                goff = pl.multiple_of(t * SC_ROWS + j * G, 8)
                pltpu.async_copy(table_v.at[idx_v.at[pl.ds(goff, G)]],
                                 rows_v.at[pb, pl.ds(j * G, G)], gsem)

        @pl.when(chunk == NFULL)
        def _():
            goff = pl.multiple_of(t * SC_ROWS, 8)
            pltpu.async_copy(table_v.at[idx_v.at[pl.ds(goff, TAIL)]],
                             rows_v.at[pb, pl.ds(0, TAIL)], gsem)

    def drain_gathers(t, pb):
        chunk = wid * SPW + t

        @pl.when(chunk < NFULL)
        def _():
            pltpu.make_async_copy(out_hbm.at[pl.ds(0, SC_ROWS)],
                                  rows_v.at[pb], gsem).wait()

        @pl.when(chunk == NFULL)
        def _():
            pltpu.make_async_copy(out_hbm.at[pl.ds(0, TAIL)],
                                  rows_v.at[pb, pl.ds(0, TAIL)], gsem).wait()

    def fire_store(t, pb):
        chunk = wid * SPW + t
        row0 = pl.multiple_of(chunk * SC_ROWS, 8)

        @pl.when(chunk < NFULL)
        def _():
            pltpu.async_copy(rows_v.at[pb],
                             out_hbm.at[pl.ds(row0, SC_ROWS)], ssem)

        @pl.when(chunk == NFULL)
        def _():
            pltpu.async_copy(rows_v.at[pb, pl.ds(0, TAIL)],
                             out_hbm.at[pl.ds(row0, TAIL)], ssem)

    def drain_store(t, pb):
        chunk = wid * SPW + t

        @pl.when(chunk < NFULL)
        def _():
            pltpu.make_async_copy(out_hbm.at[pl.ds(0, SC_ROWS)],
                                  rows_v.at[pb], ssem).wait()

        @pl.when(chunk == NFULL)
        def _():
            pltpu.make_async_copy(out_hbm.at[pl.ds(0, TAIL)],
                                  rows_v.at[pb, pl.ds(0, TAIL)], ssem).wait()

    fire_gathers(0, 0)

    def body(t, _):
        pb = lax.rem(t, 2)
        pn = 1 - pb

        drain_gathers(t, pb)

        @pl.when(t >= 1)
        def _():
            drain_store(t - 1, pn)

        @pl.when(t + 1 < SPW)
        def _():
            fire_gathers(t + 1, pn)

        fire_store(t, pb)
        return ()

    lax.fori_loop(0, SPW, body, ())

    drain_store(SPW - 1, (SPW - 1) % 2)


def kernel(x, table):
    return _emb_lookup(x[:, 0].astype(jnp.int32), table)

# --- scband reference (transcript-rebuilt; emitter-appended) ---
"""Pipeline reference for scband-type-dict-node-encoder-77859167142088 (READ-ONLY COPY).

The authoritative reference and input builder live on the scoring server;
editing this copy changes nothing except your own understanding.
"""

import jax, jax.numpy as jnp
import numpy as np

NUM_TYPES = 28
EMB_DIM = 128
N = 100000

def setup_inputs(seed: int = 0) -> dict:
    key = jax.random.key(seed)
    k1, k2 = jax.random.split(key)
    x = jax.random.randint(k1, (N, 1), 0, NUM_TYPES, dtype=jnp.int64 if jax.config.jax_enable_x64 else jnp.int32)
    table = jax.random.normal(k2, (NUM_TYPES, EMB_DIM), dtype=jnp.float32)
    return {"x": x, "table": table}

def reference(x, table):
    # TypeDictNodeEncoder.forward: embedding lookup on x[:, 0]
    idx = x[:, 0]
    return jnp.take(table, idx, axis=0)

if __name__ == "__main__":
    import jax
    _d = setup_inputs()
    print(jax.jit(kernel)(*tuple(_d.values())))

</pallas_src>

<mosaic_0001>
#map = affine_map<(d0, d1) -> (0)>
#map1 = affine_map<(d0, d1) -> (0, 0)>
module attributes {stable_mosaic.version = 14 : i64} {
  func.func @_emb_lookup(%arg0: i32, %arg1: i32, %arg2: memref<100000xi32, #tpu.memory_space<hbm>>, %arg3: memref<28x128xf32, #tpu.memory_space<hbm>>, %arg4: memref<100000x128xf32, #tpu.memory_space<hbm>>, %arg5: memref<3136xi32, #tpu.memory_space<vmem>>, %arg6: memref<2x448x128xf32, #tpu.memory_space<vmem>>, %arg7: memref<28x128xf32, #tpu.memory_space<vmem_shared>>, %arg8: memref<!tpu.dma_semaphore, #tpu.memory_space<semaphore_mem>>, %arg9: memref<!tpu.dma_semaphore, #tpu.memory_space<semaphore_mem>>) attributes {dimension_semantics = [#tpu.dimension_semantics<core_parallel>, #tpu.dimension_semantics<subcore_parallel>], iteration_bounds = array<i64: 2, 16>, scalar_prefetch = 0 : i64, scratch_operands = 5 : i64, tpu.core_type = #tpu.core_type<sc_vector_subcore>, window_params = [{transform_indices = #map}, {transform_indices = #map1}, {transform_indices = #map1}]} {
    %mul3A = arith.constant 2 : i32
    %mul3A_0 = arith.muli %arg1, %mul3A : i32
    %add3A = arith.addi %mul3A_0, %arg0 : i32
    %eq3A = arith.constant 0 : i32
    %eq3A_1 = arith.cmpi eq, %arg1, %eq3A : i32
    %convert_element_type3A = arith.extui %eq3A_1 : i1 to i32
    %cond3A = arith.constant 0 : i32
    %cond3A_2 = arith.cmpi ne, %convert_element_type3A, %cond3A : i32
    scf.if %cond3A_2 {
      "tpu.region"() ({
        %run_scoped3A = tpu.sem_alloc : memref<!tpu.dma_semaphore, #tpu.memory_space<semaphore_mem>>
        tpu.enqueue_dma source(%arg3 : memref<28x128xf32, #tpu.memory_space<hbm>>) target(%arg7 : memref<28x128xf32, #tpu.memory_space<vmem_shared>>) target_semaphore(%run_scoped3A : memref<!tpu.dma_semaphore, #tpu.memory_space<semaphore_mem>>)
        tpu.wait_dma2 semaphore(%run_scoped3A : memref<!tpu.dma_semaphore, #tpu.memory_space<semaphore_mem>>) src(%arg3 : memref<28x128xf32, #tpu.memory_space<hbm>>) dst(%arg7 : memref<28x128xf32, #tpu.memory_space<vmem_shared>>)
        tpu.yield
      }) : () -> ()
    } else {
    }
    %mul3A_3 = arith.constant 3136 : i32
    %mul3A_4 = arith.muli %add3A, %mul3A_3 : i32
    %multiple_of3A = tpu.assume_multiple %mul3A_4, 8 : i32
    %lt3A = arith.constant 31 : i32
    %lt3A_5 = arith.cmpi slt, %add3A, %lt3A : i32
    %convert_element_type3A_6 = arith.extui %lt3A_5 : i1 to i32
    %cond3A_7 = arith.constant 0 : i32
    %cond3A_8 = arith.cmpi ne, %convert_element_type3A_6, %cond3A_7 : i32
    scf.if %cond3A_8 {
      "tpu.region"() ({
        %run_scoped3A = tpu.sem_alloc : memref<!tpu.dma_semaphore, #tpu.memory_space<semaphore_mem>>
        %dma_start3A = tpu.memref_slice %arg2[%multiple_of3A] : memref<100000xi32, #tpu.memory_space<hbm>> -> memref<3136xi32, #tpu.memory_space<hbm>>
        %dma_start3A_46 = tpu.memref_slice %arg2[%multiple_of3A] : memref<100000xi32, #tpu.memory_space<hbm>> -> memref<3136xi32, #tpu.memory_space<hbm>>
        tpu.enqueue_dma source(%dma_start3A_46 : memref<3136xi32, #tpu.memory_space<hbm>>) target(%arg5 : memref<3136xi32, #tpu.memory_space<vmem>>) target_semaphore(%run_scoped3A : memref<!tpu.dma_semaphore, #tpu.memory_space<semaphore_mem>>)
        %dma_wait3A = tpu.memref_slice %arg2[%multiple_of3A] : memref<100000xi32, #tpu.memory_space<hbm>> -> memref<3136xi32, #tpu.memory_space<hbm>>
        %dma_wait3A_47 = tpu.memref_slice %arg2[%multiple_of3A] : memref<100000xi32, #tpu.memory_space<hbm>> -> memref<3136xi32, #tpu.memory_space<hbm>>
        tpu.wait_dma2 semaphore(%run_scoped3A : memref<!tpu.dma_semaphore, #tpu.memory_space<semaphore_mem>>) src(%dma_wait3A_47 : memref<3136xi32, #tpu.memory_space<hbm>>) dst(%arg5 : memref<3136xi32, #tpu.memory_space<vmem>>)
        tpu.yield
      }) : () -> ()
    } else {
    }
    %eq3A_9 = arith.constant 31 : i32
    %eq3A_10 = arith.cmpi eq, %add3A, %eq3A_9 : i32
    %convert_element_type3A_11 = arith.extui %eq3A_10 : i1 to i32
    %cond3A_12 = arith.constant 0 : i32
    %cond3A_13 = arith.cmpi ne, %convert_element_type3A_11, %cond3A_12 : i32
    scf.if %cond3A_13 {
      "tpu.region"() ({
        %run_scoped3A = tpu.sem_alloc : memref<!tpu.dma_semaphore, #tpu.memory_space<semaphore_mem>>
        %dma_start3A = arith.constant 0 : i32
        %dma_start3A_46 = tpu.memref_slice %arg5[%dma_start3A] : memref<3136xi32, #tpu.memory_space<vmem>> -> memref<2784xi32, #tpu.memory_space<vmem>>
        %dma_start3A_47 = tpu.memref_slice %arg2[%multiple_of3A] : memref<100000xi32, #tpu.memory_space<hbm>> -> memref<2784xi32, #tpu.memory_space<hbm>>
        %dma_start3A_48 = arith.constant 0 : i32
        %dma_start3A_49 = tpu.memref_slice %arg5[%dma_start3A_48] : memref<3136xi32, #tpu.memory_space<vmem>> -> memref<2784xi32, #tpu.memory_space<vmem>>
        %dma_start3A_50 = tpu.memref_slice %arg2[%multiple_of3A] : memref<100000xi32, #tpu.memory_space<hbm>> -> memref<2784xi32, #tpu.memory_space<hbm>>
        tpu.enqueue_dma source(%dma_start3A_50 : memref<2784xi32, #tpu.memory_space<hbm>>) target(%dma_start3A_49 : memref<2784xi32, #tpu.memory_space<vmem>>) target_semaphore(%run_scoped3A : memref<!tpu.dma_semaphore, #tpu.memory_space<semaphore_mem>>)
        %dma_wait3A = arith.constant 0 : i32
        %dma_wait3A_51 = tpu.memref_slice %arg5[%dma_wait3A] : memref<3136xi32, #tpu.memory_space<vmem>> -> memref<2784xi32, #tpu.memory_space<vmem>>
        %dma_wait3A_52 = tpu.memref_slice %arg2[%multiple_of3A] : memref<100000xi32, #tpu.memory_space<hbm>> -> memref<2784xi32, #tpu.memory_space<hbm>>
        %dma_wait3A_53 = arith.constant 0 : i32
        %dma_wait3A_54 = tpu.memref_slice %arg5[%dma_wait3A_53] : memref<3136xi32, #tpu.memory_space<vmem>> -> memref<2784xi32, #tpu.memory_space<vmem>>
        %dma_wait3A_55 = tpu.memref_slice %arg2[%multiple_of3A] : memref<100000xi32, #tpu.memory_space<hbm>> -> memref<2784xi32, #tpu.memory_space<hbm>>
        tpu.wait_dma2 semaphore(%run_scoped3A : memref<!tpu.dma_semaphore, #tpu.memory_space<semaphore_mem>>) src(%dma_wait3A_55 : memref<2784xi32, #tpu.memory_space<hbm>>) dst(%dma_wait3A_54 : memref<2784xi32, #tpu.memory_space<vmem>>)
        tpu.yield
      }) : () -> ()
    } else {
    }
    %barrier3A = arith.constant 0 : index
    tpu.barrier barrier_id(%barrier3A)
    %mul3A_14 = arith.constant 7 : i32
    %mul3A_15 = arith.muli %add3A, %mul3A_14 : i32
    %add3A_16 = arith.constant 0 : i32
    %add3A_17 = arith.addi %mul3A_15, %add3A_16 : i32
    %lt3A_18 = arith.constant 223 : i32
    %lt3A_19 = arith.cmpi slt, %add3A_17, %lt3A_18 : i32
    %convert_element_type3A_20 = arith.extui %lt3A_19 : i1 to i32
    %cond3A_21 = arith.constant 0 : i32
    %cond3A_22 = arith.cmpi ne, %convert_element_type3A_20, %cond3A_21 : i32
    scf.if %cond3A_22 {
      %multiple_of3A_46 = arith.constant 0 : i32
      %multiple_of3A_47 = tpu.assume_multiple %multiple_of3A_46, 8 : i32
      %dma_start3A = arith.constant 0 : i32
      %dma_start3A_48 = arith.constant 0 : i32
      %dma_start3A_49 = arith.constant 0 : i32
      %dma_start3A_50 = tpu.memref_slice %arg6[%dma_start3A, %dma_start3A_48, %dma_start3A_49] : memref<2x448x128xf32, #tpu.memory_space<vmem>> -> memref<1x112x128xf32, #tpu.memory_space<vmem>>
      %dma_start3A_51 = tpu.memref_squeeze %dma_start3A_50 : memref<1x112x128xf32, #tpu.memory_space<vmem>> -> memref<112x128xf32, #tpu.memory_space<vmem>>
      %dma_start3A_52 = tpu.memref_slice %arg5[%multiple_of3A_47] : memref<3136xi32, #tpu.memory_space<vmem>> -> memref<112xi32, #tpu.memory_space<vmem>>
      %dma_start3A_53 = arith.constant 0 : i32
      %dma_start3A_54 = arith.constant 0 : i32
      %dma_start3A_55 = tpu.memref_slice %arg7[%dma_start3A_53, %dma_start3A_54] : memref<28x128xf32, #tpu.memory_space<vmem_shared>> -> memref<28x128xf32, #tpu.memory_space<vmem_shared>>
      tpu.enqueue_indirect_dma source(%dma_start3A_55 : memref<28x128xf32, #tpu.memory_space<vmem_shared>>) target(%dma_start3A_51 : memref<112x128xf32, #tpu.memory_space<vmem>>) offsets(%dma_start3A_52 : memref<112xi32, #tpu.memory_space<vmem>>) semaphore(%arg8 : memref<!tpu.dma_semaphore, #tpu.memory_space<semaphore_mem>>)
      %multiple_of3A_56 = arith.constant 112 : i32
      %multiple_of3A_57 = tpu.assume_multiple %multiple_of3A_56, 8 : i32
      %dma_start3A_58 = arith.constant 0 : i32
      %dma_start3A_59 = arith.constant 112 : i32
      %dma_start3A_60 = arith.constant 0 : i32
      %dma_start3A_61 = tpu.memref_slice %arg6[%dma_start3A_58, %dma_start3A_59, %dma_start3A_60] : memref<2x448x128xf32, #tpu.memory_space<vmem>> -> memref<1x112x128xf32, #tpu.memory_space<vmem>>
      %dma_start3A_62 = tpu.memref_squeeze %dma_start3A_61 : memref<1x112x128xf32, #tpu.memory_space<vmem>> -> memref<112x128xf32, #tpu.memory_space<vmem>>
      %dma_start3A_63 = tpu.memref_slice %arg5[%multiple_of3A_57] : memref<3136xi32, #tpu.memory_space<vmem>> -> memref<112xi32, #tpu.memory_space<vmem>>
      %dma_start3A_64 = arith.constant 0 : i32
      %dma_start3A_65 = arith.constant 0 : i32
      %dma_start3A_66 = tpu.memref_slice %arg7[%dma_start3A_64, %dma_start3A_65] : memref<28x128xf32, #tpu.memory_space<vmem_shared>> -> memref<28x128xf32, #tpu.memory_space<vmem_shared>>
      tpu.enqueue_indirect_dma source(%dma_start3A_66 : memref<28x128xf32, #tpu.memory_space<vmem_shared>>) target(%dma_start3A_62 : memref<112x128xf32, #tpu.memory_space<vmem>>) offsets(%dma_start3A_63 : memref<112xi32, #tpu.memory_space<vmem>>) semaphore(%arg8 : memref<!tpu.dma_semaphore, #tpu.memory_space<semaphore_mem>>)
      %multiple_of3A_67 = arith.constant 224 : i32
      %multiple_of3A_68 = tpu.assume_multiple %multiple_of3A_67, 8 : i32
      %dma_start3A_69 = arith.constant 0 : i32
      %dma_start3A_70 = arith.constant 224 : i32
      %dma_start3A_71 = arith.constant 0 : i32
      %dma_start3A_72 = tpu.memref_slice %arg6[%dma_start3A_69, %dma_start3A_70, %dma_start3A_71] : memref<2x448x128xf32, #tpu.memory_space<vmem>> -> memref<1x112x128xf32, #tpu.memory_space<vmem>>
      %dma_start3A_73 = tpu.memref_squeeze %dma_start3A_72 : memref<1x112x128xf32, #tpu.memory_space<vmem>> -> memref<112x128xf32, #tpu.memory_space<vmem>>
      %dma_start3A_74 = tpu.memref_slice %arg5[%multiple_of3A_68] : memref<3136xi32, #tpu.memory_space<vmem>> -> memref<112xi32, #tpu.memory_space<vmem>>
      %dma_start3A_75 = arith.constant 0 : i32
      %dma_start3A_76 = arith.constant 0 : i32
      %dma_start3A_77 = tpu.memref_slice %arg7[%dma_start3A_75, %dma_start3A_76] : memref<28x128xf32, #tpu.memory_space<vmem_shared>> -> memref<28x128xf32, #tpu.memory_space<vmem_shared>>
      tpu.enqueue_indirect_dma source(%dma_start3A_77 : memref<28x128xf32, #tpu.memory_space<vmem_shared>>) target(%dma_start3A_73 : memref<112x128xf32, #tpu.memory_space<vmem>>) offsets(%dma_start3A_74 : memref<112xi32, #tpu.memory_space<vmem>>) semaphore(%arg8 : memref<!tpu.dma_semaphore, #tpu.memory_space<semaphore_mem>>)
      %multiple_of3A_78 = arith.constant 336 : i32
      %multiple_of3A_79 = tpu.assume_multiple %multiple_of3A_78, 8 : i32
      %dma_start3A_80 = arith.constant 0 : i32
      %dma_start3A_81 = arith.constant 336 : i32
      %dma_start3A_82 = arith.constant 0 : i32
      %dma_start3A_83 = tpu.memref_slice %arg6[%dma_start3A_80, %dma_start3A_81, %dma_start3A_82] : memref<2x448x128xf32, #tpu.memory_space<vmem>> -> memref<1x112x128xf32, #tpu.memory_space<vmem>>
      %dma_start3A_84 = tpu.memref_squeeze %dma_start3A_83 : memref<1x112x128xf32, #tpu.memory_space<vmem>> -> memref<112x128xf32, #tpu.memory_space<vmem>>
      %dma_start3A_85 = tpu.memref_slice %arg5[%multiple_of3A_79] : memref<3136xi32, #tpu.memory_space<vmem>> -> memref<112xi32, #tpu.memory_space<vmem>>
      %dma_start3A_86 = arith.constant 0 : i32
      %dma_start3A_87 = arith.constant 0 : i32
      %dma_start3A_88 = tpu.memref_slice %arg7[%dma_start3A_86, %dma_start3A_87] : memref<28x128xf32, #tpu.memory_space<vmem_shared>> -> memref<28x128xf32, #tpu.memory_space<vmem_shared>>
      tpu.enqueue_indirect_dma source(%dma_start3A_88 : memref<28x128xf32, #tpu.memory_space<vmem_shared>>) target(%dma_start3A_84 : memref<112x128xf32, #tpu.memory_space<vmem>>) offsets(%dma_start3A_85 : memref<112xi32, #tpu.memory_space<vmem>>) semaphore(%arg8 : memref<!tpu.dma_semaphore, #tpu.memory_space<semaphore_mem>>)
    } else {
    }
    %eq3A_23 = arith.constant 223 : i32
    %eq3A_24 = arith.cmpi eq, %add3A_17, %eq3A_23 : i32
    %convert_element_type3A_25 = arith.extui %eq3A_24 : i1 to i32
    %cond3A_26 = arith.constant 0 : i32
    %cond3A_27 = arith.cmpi ne, %convert_element_type3A_25, %cond3A_26 : i32
    scf.if %cond3A_27 {
      %multiple_of3A_46 = arith.constant 0 : i32
      %multiple_of3A_47 = tpu.assume_multiple %multiple_of3A_46, 8 : i32
      %dma_start3A = arith.constant 0 : i32
      %dma_start3A_48 = arith.constant 0 : i32
      %dma_start3A_49 = arith.constant 0 : i32
      %dma_start3A_50 = tpu.memref_slice %arg6[%dma_start3A, %dma_start3A_48, %dma_start3A_49] : memref<2x448x128xf32, #tpu.memory_space<vmem>> -> memref<1x96x128xf32, #tpu.memory_space<vmem>>
      %dma_start3A_51 = tpu.memref_squeeze %dma_start3A_50 : memref<1x96x128xf32, #tpu.memory_space<vmem>> -> memref<96x128xf32, #tpu.memory_space<vmem>>
      %dma_start3A_52 = tpu.memref_slice %arg5[%multiple_of3A_47] : memref<3136xi32, #tpu.memory_space<vmem>> -> memref<96xi32, #tpu.memory_space<vmem>>
      %dma_start3A_53 = arith.constant 0 : i32
      %dma_start3A_54 = arith.constant 0 : i32
      %dma_start3A_55 = tpu.memref_slice %arg7[%dma_start3A_53, %dma_start3A_54] : memref<28x128xf32, #tpu.memory_space<vmem_shared>> -> memref<28x128xf32, #tpu.memory_space<vmem_shared>>
      tpu.enqueue_indirect_dma source(%dma_start3A_55 : memref<28x128xf32, #tpu.memory_space<vmem_shared>>) target(%dma_start3A_51 : memref<96x128xf32, #tpu.memory_space<vmem>>) offsets(%dma_start3A_52 : memref<96xi32, #tpu.memory_space<vmem>>) semaphore(%arg8 : memref<!tpu.dma_semaphore, #tpu.memory_space<semaphore_mem>>)
    } else {
    }
    %scan3A = arith.constant 0 : i32
    %scan3A_28 = arith.constant 7 : i32
    %scan3A_29 = arith.addi %scan3A, %scan3A_28 : i32
    %scan3A_30 = arith.constant 1 : i32
    scf.for %scan3A_46 = %scan3A to %scan3A_29 step %scan3A_30  : i32 {
      %rem3A = arith.constant 2 : i32
      %rem3A_47 = arith.remsi %scan3A_46, %rem3A : i32
      %sub3A = arith.constant 1 : i32
      %sub3A_48 = arith.subi %sub3A, %rem3A_47 : i32
      %mul3A_49 = arith.constant 7 : i32
      %mul3A_50 = arith.muli %add3A, %mul3A_49 : i32
      %add3A_51 = arith.addi %mul3A_50, %scan3A_46 : i32
      %lt3A_52 = arith.constant 223 : i32
      %lt3A_53 = arith.cmpi slt, %add3A_51, %lt3A_52 : i32
      %convert_element_type3A_54 = arith.extui %lt3A_53 : i1 to i32
      %cond3A_55 = arith.constant 0 : i32
      %cond3A_56 = arith.cmpi ne, %convert_element_type3A_54, %cond3A_55 : i32
      scf.if %cond3A_56 {
        %dma_wait3A = arith.constant 0 : i32
        %dma_wait3A_89 = arith.constant 0 : i32
        %dma_wait3A_90 = tpu.memref_slice %arg6[%rem3A_47, %dma_wait3A, %dma_wait3A_89] : memref<2x448x128xf32, #tpu.memory_space<vmem>> -> memref<1x448x128xf32, #tpu.memory_space<vmem>>
        %dma_wait3A_91 = tpu.memref_squeeze %dma_wait3A_90 : memref<1x448x128xf32, #tpu.memory_space<vmem>> -> memref<448x128xf32, #tpu.memory_space<vmem>>
        %dma_wait3A_92 = arith.constant 0 : i32
        %dma_wait3A_93 = arith.constant 0 : i32
        %dma_wait3A_94 = tpu.memref_slice %arg4[%dma_wait3A_92, %dma_wait3A_93] : memref<100000x128xf32, #tpu.memory_space<hbm>> -> memref<448x128xf32, #tpu.memory_space<hbm>>
        %dma_wait3A_95 = arith.constant 0 : i32
        %dma_wait3A_96 = arith.constant 0 : i32
        %dma_wait3A_97 = tpu.memref_slice %arg6[%rem3A_47, %dma_wait3A_95, %dma_wait3A_96] : memref<2x448x128xf32, #tpu.memory_space<vmem>> -> memref<1x448x128xf32, #tpu.memory_space<vmem>>
        %dma_wait3A_98 = tpu.memref_squeeze %dma_wait3A_97 : memref<1x448x128xf32, #tpu.memory_space<vmem>> -> memref<448x128xf32, #tpu.memory_space<vmem>>
        %dma_wait3A_99 = arith.constant 0 : i32
        %dma_wait3A_100 = arith.constant 0 : i32
        %dma_wait3A_101 = tpu.memref_slice %arg4[%dma_wait3A_99, %dma_wait3A_100] : memref<100000x128xf32, #tpu.memory_space<hbm>> -> memref<448x128xf32, #tpu.memory_space<hbm>>
        tpu.wait_dma2 semaphore(%arg8 : memref<!tpu.dma_semaphore, #tpu.memory_space<semaphore_mem>>) src(%dma_wait3A_101 : memref<448x128xf32, #tpu.memory_space<hbm>>) dst(%dma_wait3A_98 : memref<448x128xf32, #tpu.memory_space<vmem>>)
      } else {
      }
      %eq3A_57 = arith.constant 223 : i32
      %eq3A_58 = arith.cmpi eq, %add3A_51, %eq3A_57 : i32
      %convert_element_type3A_59 = arith.extui %eq3A_58 : i1 to i32
      %cond3A_60 = arith.constant 0 : i32
      %cond3A_61 = arith.cmpi ne, %convert_element_type3A_59, %cond3A_60 : i32
      scf.if %cond3A_61 {
        %dma_wait3A = arith.constant 0 : i32
        %dma_wait3A_89 = arith.constant 0 : i32
        %dma_wait3A_90 = tpu.memref_slice %arg6[%rem3A_47, %dma_wait3A, %dma_wait3A_89] : memref<2x448x128xf32, #tpu.memory_space<vmem>> -> memref<1x96x128xf32, #tpu.memory_space<vmem>>
        %dma_wait3A_91 = tpu.memref_squeeze %dma_wait3A_90 : memref<1x96x128xf32, #tpu.memory_space<vmem>> -> memref<96x128xf32, #tpu.memory_space<vmem>>
        %dma_wait3A_92 = arith.constant 0 : i32
        %dma_wait3A_93 = arith.constant 0 : i32
        %dma_wait3A_94 = tpu.memref_slice %arg4[%dma_wait3A_92, %dma_wait3A_93] : memref<100000x128xf32, #tpu.memory_space<hbm>> -> memref<96x128xf32, #tpu.memory_space<hbm>>
        %dma_wait3A_95 = arith.constant 0 : i32
        %dma_wait3A_96 = arith.constant 0 : i32
        %dma_wait3A_97 = tpu.memref_slice %arg6[%rem3A_47, %dma_wait3A_95, %dma_wait3A_96] : memref<2x448x128xf32, #tpu.memory_space<vmem>> -> memref<1x96x128xf32, #tpu.memory_space<vmem>>
        %dma_wait3A_98 = tpu.memref_squeeze %dma_wait3A_97 : memref<1x96x128xf32, #tpu.memory_space<vmem>> -> memref<96x128xf32, #tpu.memory_space<vmem>>
        %dma_wait3A_99 = arith.constant 0 : i32
        %dma_wait3A_100 = arith.constant 0 : i32
        %dma_wait3A_101 = tpu.memref_slice %arg4[%dma_wait3A_99, %dma_wait3A_100] : memref<100000x128xf32, #tpu.memory_space<hbm>> -> memref<96x128xf32, #tpu.memory_space<hbm>>
        tpu.wait_dma2 semaphore(%arg8 : memref<!tpu.dma_semaphore, #tpu.memory_space<semaphore_mem>>) src(%dma_wait3A_101 : memref<96x128xf32, #tpu.memory_space<hbm>>) dst(%dma_wait3A_98 : memref<96x128xf32, #tpu.memory_space<vmem>>)
      } else {
      }
      %ge3A = arith.constant 1 : i32
      %ge3A_62 = arith.cmpi sge, %scan3A_46, %ge3A : i32
      %convert_element_type3A_63 = arith.extui %ge3A_62 : i1 to i32
      %cond3A_64 = arith.constant 0 : i32
      %cond3A_65 = arith.cmpi ne, %convert_element_type3A_63, %cond3A_64 : i32
      scf.if %cond3A_65 {
        %sub3A_89 = arith.constant 1 : i32
        %sub3A_90 = arith.subi %scan3A_46, %sub3A_89 : i32
        %mul3A_91 = arith.constant 7 : i32
        %mul3A_92 = arith.muli %add3A, %mul3A_91 : i32
        %add3A_93 = arith.addi %mul3A_92, %sub3A_90 : i32
        %lt3A_94 = arith.constant 223 : i32
        %lt3A_95 = arith.cmpi slt, %add3A_93, %lt3A_94 : i32
        %convert_element_type3A_96 = arith.extui %lt3A_95 : i1 to i32
        %cond3A_97 = arith.constant 0 : i32
        %cond3A_98 = arith.cmpi ne, %convert_element_type3A_96, %cond3A_97 : i32
        scf.if %cond3A_98 {
          %dma_wait3A = arith.constant 0 : i32
          %dma_wait3A_104 = arith.constant 0 : i32
          %dma_wait3A_105 = tpu.memref_slice %arg6[%sub3A_48, %dma_wait3A, %dma_wait3A_104] : memref<2x448x128xf32, #tpu.memory_space<vmem>> -> memref<1x448x128xf32, #tpu.memory_space<vmem>>
          %dma_wait3A_106 = tpu.memref_squeeze %dma_wait3A_105 : memref<1x448x128xf32, #tpu.memory_space<vmem>> -> memref<448x128xf32, #tpu.memory_space<vmem>>
          %dma_wait3A_107 = arith.constant 0 : i32
          %dma_wait3A_108 = arith.constant 0 : i32
          %dma_wait3A_109 = tpu.memref_slice %arg4[%dma_wait3A_107, %dma_wait3A_108] : memref<100000x128xf32, #tpu.memory_space<hbm>> -> memref<448x128xf32, #tpu.memory_space<hbm>>
          %dma_wait3A_110 = arith.constant 0 : i32
          %dma_wait3A_111 = arith.constant 0 : i32
          %dma_wait3A_112 = tpu.memref_slice %arg6[%sub3A_48, %dma_wait3A_110, %dma_wait3A_111] : memref<2x448x128xf32, #tpu.memory_space<vmem>> -> memref<1x448x128xf32, #tpu.memory_space<vmem>>
          %dma_wait3A_113 = tpu.memref_squeeze %dma_wait3A_112 : memref<1x448x128xf32, #tpu.memory_space<vmem>> -> memref<448x128xf32, #tpu.memory_space<vmem>>
          %dma_wait3A_114 = arith.constant 0 : i32
          %dma_wait3A_115 = arith.constant 0 : i32
          %dma_wait3A_116 = tpu.memref_slice %arg4[%dma_wait3A_114, %dma_wait3A_115] : memref<100000x128xf32, #tpu.memory_space<hbm>> -> memref<448x128xf32, #tpu.memory_space<hbm>>
          tpu.wait_dma2 semaphore(%arg9 : memref<!tpu.dma_semaphore, #tpu.memory_space<semaphore_mem>>) src(%dma_wait3A_116 : memref<448x128xf32, #tpu.memory_space<hbm>>) dst(%dma_wait3A_113 : memref<448x128xf32, #tpu.memory_space<vmem>>)
        } else {
        }
        %eq3A_99 = arith.constant 223 : i32
        %eq3A_100 = arith.cmpi eq, %add3A_93, %eq3A_99 : i32
        %convert_element_type3A_101 = arith.extui %eq3A_100 : i1 to i32
        %cond3A_102 = arith.constant 0 : i32
        %cond3A_103 = arith.cmpi ne, %convert_element_type3A_101, %cond3A_102 : i32
        scf.if %cond3A_103 {
          %dma_wait3A = arith.constant 0 : i32
          %dma_wait3A_104 = arith.constant 0 : i32
          %dma_wait3A_105 = tpu.memref_slice %arg6[%sub3A_48, %dma_wait3A, %dma_wait3A_104] : memref<2x448x128xf32, #tpu.memory_space<vmem>> -> memref<1x96x128xf32, #tpu.memory_space<vmem>>
          %dma_wait3A_106 = tpu.memref_squeeze %dma_wait3A_105 : memref<1x96x128xf32, #tpu.memory_space<vmem>> -> memref<96x128xf32, #tpu.memory_space<vmem>>
          %dma_wait3A_107 = arith.constant 0 : i32
          %dma_wait3A_108 = arith.constant 0 : i32
          %dma_wait3A_109 = tpu.memref_slice %arg4[%dma_wait3A_107, %dma_wait3A_108] : memref<100000x128xf32, #tpu.memory_space<hbm>> -> memref<96x128xf32, #tpu.memory_space<hbm>>
          %dma_wait3A_110 = arith.constant 0 : i32
          %dma_wait3A_111 = arith.constant 0 : i32
          %dma_wait3A_112 = tpu.memref_slice %arg6[%sub3A_48, %dma_wait3A_110, %dma_wait3A_111] : memref<2x448x128xf32, #tpu.memory_space<vmem>> -> memref<1x96x128xf32, #tpu.memory_space<vmem>>
          %dma_wait3A_113 = tpu.memref_squeeze %dma_wait3A_112 : memref<1x96x128xf32, #tpu.memory_space<vmem>> -> memref<96x128xf32, #tpu.memory_space<vmem>>
          %dma_wait3A_114 = arith.constant 0 : i32
          %dma_wait3A_115 = arith.constant 0 : i32
          %dma_wait3A_116 = tpu.memref_slice %arg4[%dma_wait3A_114, %dma_wait3A_115] : memref<100000x128xf32, #tpu.memory_space<hbm>> -> memref<96x128xf32, #tpu.memory_space<hbm>>
          tpu.wait_dma2 semaphore(%arg9 : memref<!tpu.dma_semaphore, #tpu.memory_space<semaphore_mem>>) src(%dma_wait3A_116 : memref<96x128xf32, #tpu.memory_space<hbm>>) dst(%dma_wait3A_113 : memref<96x128xf32, #tpu.memory_space<vmem>>)
        } else {
        }
      } else {
      }
      %add3A_66 = arith.constant 1 : i32
      %add3A_67 = arith.addi %scan3A_46, %add3A_66 : i32
      %lt3A_68 = arith.constant 7 : i32
      %lt3A_69 = arith.cmpi slt, %add3A_67, %lt3A_68 : i32
      %convert_element_type3A_70 = arith.extui %lt3A_69 : i1 to i32
      %cond3A_71 = arith.constant 0 : i32
      %cond3A_72 = arith.cmpi ne, %convert_element_type3A_70, %cond3A_71 : i32
      scf.if %cond3A_72 {
        %add3A_89 = arith.constant 1 : i32
        %add3A_90 = arith.addi %scan3A_46, %add3A_89 : i32
        %mul3A_91 = arith.constant 7 : i32
        %mul3A_92 = arith.muli %add3A, %mul3A_91 : i32
        %add3A_93 = arith.addi %mul3A_92, %add3A_90 : i32
        %lt3A_94 = arith.constant 223 : i32
        %lt3A_95 = arith.cmpi slt, %add3A_93, %lt3A_94 : i32
        %convert_element_type3A_96 = arith.extui %lt3A_95 : i1 to i32
        %cond3A_97 = arith.constant 0 : i32
        %cond3A_98 = arith.cmpi ne, %convert_element_type3A_96, %cond3A_97 : i32
        scf.if %cond3A_98 {
          %mul3A_104 = arith.constant 448 : i32
          %mul3A_105 = arith.muli %add3A_90, %mul3A_104 : i32
          %add3A_106 = arith.constant 0 : i32
          %add3A_107 = arith.addi %mul3A_105, %add3A_106 : i32
          %multiple_of3A_108 = tpu.assume_multiple %add3A_107, 8 : i32
          %dma_start3A = arith.constant 0 : i32
          %dma_start3A_109 = arith.constant 0 : i32
          %dma_start3A_110 = tpu.memref_slice %arg6[%sub3A_48, %dma_start3A, %dma_start3A_109] : memref<2x448x128xf32, #tpu.memory_space<vmem>> -> memref<1x112x128xf32, #tpu.memory_space<vmem>>
          %dma_start3A_111 = tpu.memref_squeeze %dma_start3A_110 : memref<1x112x128xf32, #tpu.memory_space<vmem>> -> memref<112x128xf32, #tpu.memory_space<vmem>>
          %dma_start3A_112 = tpu.memref_slice %arg5[%multiple_of3A_108] : memref<3136xi32, #tpu.memory_space<vmem>> -> memref<112xi32, #tpu.memory_space<vmem>>
          %dma_start3A_113 = arith.constant 0 : i32
          %dma_start3A_114 = arith.constant 0 : i32
          %dma_start3A_115 = tpu.memref_slice %arg7[%dma_start3A_113, %dma_start3A_114] : memref<28x128xf32, #tpu.memory_space<vmem_shared>> -> memref<28x128xf32, #tpu.memory_space<vmem_shared>>
          tpu.enqueue_indirect_dma source(%dma_start3A_115 : memref<28x128xf32, #tpu.memory_space<vmem_shared>>) target(%dma_start3A_111 : memref<112x128xf32, #tpu.memory_space<vmem>>) offsets(%dma_start3A_112 : memref<112xi32, #tpu.memory_space<vmem>>) semaphore(%arg8 : memref<!tpu.dma_semaphore, #tpu.memory_space<semaphore_mem>>)
          %mul3A_116 = arith.constant 448 : i32
          %mul3A_117 = arith.muli %add3A_90, %mul3A_116 : i32
          %add3A_118 = arith.constant 112 : i32
          %add3A_119 = arith.addi %mul3A_117, %add3A_118 : i32
          %multiple_of3A_120 = tpu.assume_multiple %add3A_119, 8 : i32
          %dma_start3A_121 = arith.constant 112 : i32
          %dma_start3A_122 = arith.constant 0 : i32
          %dma_start3A_123 = tpu.memref_slice %arg6[%sub3A_48, %dma_start3A_121, %dma_start3A_122] : memref<2x448x128xf32, #tpu.memory_space<vmem>> -> memref<1x112x128xf32, #tpu.memory_space<vmem>>
          %dma_start3A_124 = tpu.memref_squeeze %dma_start3A_123 : memref<1x112x128xf32, #tpu.memory_space<vmem>> -> memref<112x128xf32, #tpu.memory_space<vmem>>
          %dma_start3A_125 = tpu.memref_slice %arg5[%multiple_of3A_120] : memref<3136xi32, #tpu.memory_space<vmem>> -> memref<112xi32, #tpu.memory_space<vmem>>
          %dma_start3A_126 = arith.constant 0 : i32
          %dma_start3A_127 = arith.constant 0 : i32
          %dma_start3A_128 = tpu.memref_slice %arg7[%dma_start3A_126, %dma_start3A_127] : memref<28x128xf32, #tpu.memory_space<vmem_shared>> -> memref<28x128xf32, #tpu.memory_space<vmem_shared>>
          tpu.enqueue_indirect_dma source(%dma_start3A_128 : memref<28x128xf32, #tpu.memory_space<vmem_shared>>) target(%dma_start3A_124 : memref<112x128xf32, #tpu.memory_space<vmem>>) offsets(%dma_start3A_125 : memref<112xi32, #tpu.memory_space<vmem>>) semaphore(%arg8 : memref<!tpu.dma_semaphore, #tpu.memory_space<semaphore_mem>>)
          %mul3A_129 = arith.constant 448 : i32
          %mul3A_130 = arith.muli %add3A_90, %mul3A_129 : i32
          %add3A_131 = arith.constant 224 : i32
          %add3A_132 = arith.addi %mul3A_130, %add3A_131 : i32
          %multiple_of3A_133 = tpu.assume_multiple %add3A_132, 8 : i32
          %dma_start3A_134 = arith.constant 224 : i32
          %dma_start3A_135 = arith.constant 0 : i32
          %dma_start3A_136 = tpu.memref_slice %arg6[%sub3A_48, %dma_start3A_134, %dma_start3A_135] : memref<2x448x128xf32, #tpu.memory_space<vmem>> -> memref<1x112x128xf32, #tpu.memory_space<vmem>>
          %dma_start3A_137 = tpu.memref_squeeze %dma_start3A_136 : memref<1x112x128xf32, #tpu.memory_space<vmem>> -> memref<112x128xf32, #tpu.memory_space<vmem>>
          %dma_start3A_138 = tpu.memref_slice %arg5[%multiple_of3A_133] : memref<3136xi32, #tpu.memory_space<vmem>> -> memref<112xi32, #tpu.memory_space<vmem>>
          %dma_start3A_139 = arith.constant 0 : i32
          %dma_start3A_140 = arith.constant 0 : i32
          %dma_start3A_141 = tpu.memref_slice %arg7[%dma_start3A_139, %dma_start3A_140] : memref<28x128xf32, #tpu.memory_space<vmem_shared>> -> memref<28x128xf32, #tpu.memory_space<vmem_shared>>
          tpu.enqueue_indirect_dma source(%dma_start3A_141 : memref<28x128xf32, #tpu.memory_space<vmem_shared>>) target(%dma_start3A_137 : memref<112x128xf32, #tpu.memory_space<vmem>>) offsets(%dma_start3A_138 : memref<112xi32, #tpu.memory_space<vmem>>) semaphore(%arg8 : memref<!tpu.dma_semaphore, #tpu.memory_space<semaphore_mem>>)
          %mul3A_142 = arith.constant 448 : i32
          %mul3A_143 = arith.muli %add3A_90, %mul3A_142 : i32
          %add3A_144 = arith.constant 336 : i32
          %add3A_145 = arith.addi %mul3A_143, %add3A_144 : i32
          %multiple_of3A_146 = tpu.assume_multiple %add3A_145, 8 : i32
          %dma_start3A_147 = arith.constant 336 : i32
          %dma_start3A_148 = arith.constant 0 : i32
          %dma_start3A_149 = tpu.memref_slice %arg6[%sub3A_48, %dma_start3A_147, %dma_start3A_148] : memref<2x448x128xf32, #tpu.memory_space<vmem>> -> memref<1x112x128xf32, #tpu.memory_space<vmem>>
          %dma_start3A_150 = tpu.memref_squeeze %dma_start3A_149 : memref<1x112x128xf32, #tpu.memory_space<vmem>> -> memref<112x128xf32, #tpu.memory_space<vmem>>
          %dma_start3A_151 = tpu.memref_slice %arg5[%multiple_of3A_146] : memref<3136xi32, #tpu.memory_space<vmem>> -> memref<112xi32, #tpu.memory_space<vmem>>
          %dma_start3A_152 = arith.constant 0 : i32
          %dma_start3A_153 = arith.constant 0 : i32
          %dma_start3A_154 = tpu.memref_slice %arg7[%dma_start3A_152, %dma_start3A_153] : memref<28x128xf32, #tpu.memory_space<vmem_shared>> -> memref<28x128xf32, #tpu.memory_space<vmem_shared>>
          tpu.enqueue_indirect_dma source(%dma_start3A_154 : memref<28x128xf32, #tpu.memory_space<vmem_shared>>) target(%dma_start3A_150 : memref<112x128xf32, #tpu.memory_space<vmem>>) offsets(%dma_start3A_151 : memref<112xi32, #tpu.memory_space<vmem>>) semaphore(%arg8 : memref<!tpu.dma_semaphore, #tpu.memory_space<semaphore_mem>>)
        } else {
        }
        %eq3A_99 = arith.constant 223 : i32
        %eq3A_100 = arith.cmpi eq, %add3A_93, %eq3A_99 : i32
        %convert_element_type3A_101 = arith.extui %eq3A_100 : i1 to i32
        %cond3A_102 = arith.constant 0 : i32
        %cond3A_103 = arith.cmpi ne, %convert_element_type3A_101, %cond3A_102 : i32
        scf.if %cond3A_103 {
          %mul3A_104 = arith.constant 448 : i32
          %mul3A_105 = arith.muli %add3A_90, %mul3A_104 : i32
          %multiple_of3A_106 = tpu.assume_multiple %mul3A_105, 8 : i32
          %dma_start3A = arith.constant 0 : i32
          %dma_start3A_107 = arith.constant 0 : i32
          %dma_start3A_108 = tpu.memref_slice %arg6[%sub3A_48, %dma_start3A, %dma_start3A_107] : memref<2x448x128xf32, #tpu.memory_space<vmem>> -> memref<1x96x128xf32, #tpu.memory_space<vmem>>
          %dma_start3A_109 = tpu.memref_squeeze %dma_start3A_108 : memref<1x96x128xf32, #tpu.memory_space<vmem>> -> memref<96x128xf32, #tpu.memory_space<vmem>>
          %dma_start3A_110 = tpu.memref_slice %arg5[%multiple_of3A_106] : memref<3136xi32, #tpu.memory_space<vmem>> -> memref<96xi32, #tpu.memory_space<vmem>>
          %dma_start3A_111 = arith.constant 0 : i32
          %dma_start3A_112 = arith.constant 0 : i32
          %dma_start3A_113 = tpu.memref_slice %arg7[%dma_start3A_111, %dma_start3A_112] : memref<28x128xf32, #tpu.memory_space<vmem_shared>> -> memref<28x128xf32, #tpu.memory_space<vmem_shared>>
          tpu.enqueue_indirect_dma source(%dma_start3A_113 : memref<28x128xf32, #tpu.memory_space<vmem_shared>>) target(%dma_start3A_109 : memref<96x128xf32, #tpu.memory_space<vmem>>) offsets(%dma_start3A_110 : memref<96xi32, #tpu.memory_space<vmem>>) semaphore(%arg8 : memref<!tpu.dma_semaphore, #tpu.memory_space<semaphore_mem>>)
        } else {
        }
      } else {
      }
      %mul3A_73 = arith.constant 7 : i32
      %mul3A_74 = arith.muli %add3A, %mul3A_73 : i32
      %add3A_75 = arith.addi %mul3A_74, %scan3A_46 : i32
      %mul3A_76 = arith.constant 448 : i32
      %mul3A_77 = arith.muli %add3A_75, %mul3A_76 : i32
      %multiple_of3A_78 = tpu.assume_multiple %mul3A_77, 8 : i32
      %lt3A_79 = arith.constant 223 : i32
      %lt3A_80 = arith.cmpi slt, %add3A_75, %lt3A_79 : i32
      %convert_element_type3A_81 = arith.extui %lt3A_80 : i1 to i32
      %cond3A_82 = arith.constant 0 : i32
      %cond3A_83 = arith.cmpi ne, %convert_element_type3A_81, %cond3A_82 : i32
      scf.if %cond3A_83 {
        %dma_start3A = arith.constant 0 : i32
        %dma_start3A_89 = arith.constant 0 : i32
        %dma_start3A_90 = tpu.memref_slice %arg6[%rem3A_47, %dma_start3A, %dma_start3A_89] : memref<2x448x128xf32, #tpu.memory_space<vmem>> -> memref<1x448x128xf32, #tpu.memory_space<vmem>>
        %dma_start3A_91 = tpu.memref_squeeze %dma_start3A_90 : memref<1x448x128xf32, #tpu.memory_space<vmem>> -> memref<448x128xf32, #tpu.memory_space<vmem>>
        %dma_start3A_92 = arith.constant 0 : i32
        %dma_start3A_93 = tpu.memref_slice %arg4[%multiple_of3A_78, %dma_start3A_92] : memref<100000x128xf32, #tpu.memory_space<hbm>> -> memref<448x128xf32, #tpu.memory_space<hbm>>
        %dma_start3A_94 = arith.constant 0 : i32
        %dma_start3A_95 = tpu.memref_slice %arg4[%multiple_of3A_78, %dma_start3A_94] : memref<100000x128xf32, #tpu.memory_space<hbm>> -> memref<448x128xf32, #tpu.memory_space<hbm>>
        %dma_start3A_96 = arith.constant 0 : i32
        %dma_start3A_97 = arith.constant 0 : i32
        %dma_start3A_98 = tpu.memref_slice %arg6[%rem3A_47, %dma_start3A_96, %dma_start3A_97] : memref<2x448x128xf32, #tpu.memory_space<vmem>> -> memref<1x448x128xf32, #tpu.memory_space<vmem>>
        %dma_start3A_99 = tpu.memref_squeeze %dma_start3A_98 : memref<1x448x128xf32, #tpu.memory_space<vmem>> -> memref<448x128xf32, #tpu.memory_space<vmem>>
        tpu.enqueue_dma source(%dma_start3A_99 : memref<448x128xf32, #tpu.memory_space<vmem>>) target(%dma_start3A_95 : memref<448x128xf32, #tpu.memory_space<hbm>>) target_semaphore(%arg9 : memref<!tpu.dma_semaphore, #tpu.memory_space<semaphore_mem>>)
      } else {
      }
      %eq3A_84 = arith.constant 223 : i32
      %eq3A_85 = arith.cmpi eq, %add3A_75, %eq3A_84 : i32
      %convert_element_type3A_86 = arith.extui %eq3A_85 : i1 to i32
      %cond3A_87 = arith.constant 0 : i32
      %cond3A_88 = arith.cmpi ne, %convert_element_type3A_86, %cond3A_87 : i32
      scf.if %cond3A_88 {
        %dma_start3A = arith.constant 0 : i32
        %dma_start3A_89 = arith.constant 0 : i32
        %dma_start3A_90 = tpu.memref_slice %arg6[%rem3A_47, %dma_start3A, %dma_start3A_89] : memref<2x448x128xf32, #tpu.memory_space<vmem>> -> memref<1x96x128xf32, #tpu.memory_space<vmem>>
        %dma_start3A_91 = tpu.memref_squeeze %dma_start3A_90 : memref<1x96x128xf32, #tpu.memory_space<vmem>> -> memref<96x128xf32, #tpu.memory_space<vmem>>
        %dma_start3A_92 = arith.constant 0 : i32
        %dma_start3A_93 = tpu.memref_slice %arg4[%multiple_of3A_78, %dma_start3A_92] : memref<100000x128xf32, #tpu.memory_space<hbm>> -> memref<96x128xf32, #tpu.memory_space<hbm>>
        %dma_start3A_94 = arith.constant 0 : i32
        %dma_start3A_95 = tpu.memref_slice %arg4[%multiple_of3A_78, %dma_start3A_94] : memref<100000x128xf32, #tpu.memory_space<hbm>> -> memref<96x128xf32, #tpu.memory_space<hbm>>
        %dma_start3A_96 = arith.constant 0 : i32
        %dma_start3A_97 = arith.constant 0 : i32
        %dma_start3A_98 = tpu.memref_slice %arg6[%rem3A_47, %dma_start3A_96, %dma_start3A_97] : memref<2x448x128xf32, #tpu.memory_space<vmem>> -> memref<1x96x128xf32, #tpu.memory_space<vmem>>
        %dma_start3A_99 = tpu.memref_squeeze %dma_start3A_98 : memref<1x96x128xf32, #tpu.memory_space<vmem>> -> memref<96x128xf32, #tpu.memory_space<vmem>>
        tpu.enqueue_dma source(%dma_start3A_99 : memref<96x128xf32, #tpu.memory_space<vmem>>) target(%dma_start3A_95 : memref<96x128xf32, #tpu.memory_space<hbm>>) target_semaphore(%arg9 : memref<!tpu.dma_semaphore, #tpu.memory_space<semaphore_mem>>)
      } else {
      }
    }
    %scan3A_31 = arith.constant 7 : i32
    %mul3A_32 = arith.constant 7 : i32
    %mul3A_33 = arith.muli %add3A, %mul3A_32 : i32
    %add3A_34 = arith.constant 6 : i32
    %add3A_35 = arith.addi %mul3A_33, %add3A_34 : i32
    %lt3A_36 = arith.constant 223 : i32
    %lt3A_37 = arith.cmpi slt, %add3A_35, %lt3A_36 : i32
    %convert_element_type3A_38 = arith.extui %lt3A_37 : i1 to i32
    %cond3A_39 = arith.constant 0 : i32
    %cond3A_40 = arith.cmpi ne, %convert_element_type3A_38, %cond3A_39 : i32
    scf.if %cond3A_40 {
      %dma_wait3A = arith.constant 0 : i32
      %dma_wait3A_46 = arith.constant 0 : i32
      %dma_wait3A_47 = arith.constant 0 : i32
      %dma_wait3A_48 = tpu.memref_slice %arg6[%dma_wait3A, %dma_wait3A_46, %dma_wait3A_47] : memref<2x448x128xf32, #tpu.memory_space<vmem>> -> memref<1x448x128xf32, #tpu.memory_space<vmem>>
      %dma_wait3A_49 = tpu.memref_squeeze %dma_wait3A_48 : memref<1x448x128xf32, #tpu.memory_space<vmem>> -> memref<448x128xf32, #tpu.memory_space<vmem>>
      %dma_wait3A_50 = arith.constant 0 : i32
      %dma_wait3A_51 = arith.constant 0 : i32
      %dma_wait3A_52 = tpu.memref_slice %arg4[%dma_wait3A_50, %dma_wait3A_51] : memref<100000x128xf32, #tpu.memory_space<hbm>> -> memref<448x128xf32, #tpu.memory_space<hbm>>
      %dma_wait3A_53 = arith.constant 0 : i32
      %dma_wait3A_54 = arith.constant 0 : i32
      %dma_wait3A_55 = tpu.memref_slice %arg6[%dma_wait3A, %dma_wait3A_53, %dma_wait3A_54] : memref<2x448x128xf32, #tpu.memory_space<vmem>> -> memref<1x448x128xf32, #tpu.memory_space<vmem>>
      %dma_wait3A_56 = tpu.memref_squeeze %dma_wait3A_55 : memref<1x448x128xf32, #tpu.memory_space<vmem>> -> memref<448x128xf32, #tpu.memory_space<vmem>>
      %dma_wait3A_57 = arith.constant 0 : i32
      %dma_wait3A_58 = arith.constant 0 : i32
      %dma_wait3A_59 = tpu.memref_slice %arg4[%dma_wait3A_57, %dma_wait3A_58] : memref<100000x128xf32, #tpu.memory_space<hbm>> -> memref<448x128xf32, #tpu.memory_space<hbm>>
      tpu.wait_dma2 semaphore(%arg9 : memref<!tpu.dma_semaphore, #tpu.memory_space<semaphore_mem>>) src(%dma_wait3A_59 : memref<448x128xf32, #tpu.memory_space<hbm>>) dst(%dma_wait3A_56 : memref<448x128xf32, #tpu.memory_space<vmem>>)
    } else {
    }
    %eq3A_41 = arith.constant 223 : i32
    %eq3A_42 = arith.cmpi eq, %add3A_35, %eq3A_41 : i32
    %convert_element_type3A_43 = arith.extui %eq3A_42 : i1 to i32
    %cond3A_44 = arith.constant 0 : i32
    %cond3A_45 = arith.cmpi ne, %convert_element_type3A_43, %cond3A_44 : i32
    scf.if %cond3A_45 {
      %dma_wait3A = arith.constant 0 : i32
      %dma_wait3A_46 = arith.constant 0 : i32
      %dma_wait3A_47 = arith.constant 0 : i32
      %dma_wait3A_48 = tpu.memref_slice %arg6[%dma_wait3A, %dma_wait3A_46, %dma_wait3A_47] : memref<2x448x128xf32, #tpu.memory_space<vmem>> -> memref<1x96x128xf32, #tpu.memory_space<vmem>>
      %dma_wait3A_49 = tpu.memref_squeeze %dma_wait3A_48 : memref<1x96x128xf32, #tpu.memory_space<vmem>> -> memref<96x128xf32, #tpu.memory_space<vmem>>
      %dma_wait3A_50 = arith.constant 0 : i32
      %dma_wait3A_51 = arith.constant 0 : i32
      %dma_wait3A_52 = tpu.memref_slice %arg4[%dma_wait3A_50, %dma_wait3A_51] : memref<100000x128xf32, #tpu.memory_space<hbm>> -> memref<96x128xf32, #tpu.memory_space<hbm>>
      %dma_wait3A_53 = arith.constant 0 : i32
      %dma_wait3A_54 = arith.constant 0 : i32
      %dma_wait3A_55 = tpu.memref_slice %arg6[%dma_wait3A, %dma_wait3A_53, %dma_wait3A_54] : memref<2x448x128xf32, #tpu.memory_space<vmem>> -> memref<1x96x128xf32, #tpu.memory_space<vmem>>
      %dma_wait3A_56 = tpu.memref_squeeze %dma_wait3A_55 : memref<1x96x128xf32, #tpu.memory_space<vmem>> -> memref<96x128xf32, #tpu.memory_space<vmem>>
      %dma_wait3A_57 = arith.constant 0 : i32
      %dma_wait3A_58 = arith.constant 0 : i32
      %dma_wait3A_59 = tpu.memref_slice %arg4[%dma_wait3A_57, %dma_wait3A_58] : memref<100000x128xf32, #tpu.memory_space<hbm>> -> memref<96x128xf32, #tpu.memory_space<hbm>>
      tpu.wait_dma2 semaphore(%arg9 : memref<!tpu.dma_semaphore, #tpu.memory_space<semaphore_mem>>) src(%dma_wait3A_59 : memref<96x128xf32, #tpu.memory_space<hbm>>) dst(%dma_wait3A_56 : memref<96x128xf32, #tpu.memory_space<vmem>>)
    } else {
    }
    return
  }
}

</mosaic_0001>

<sc_bundles>
// kernel: kernel.3.cloned.1.call-start
scs
__scs_entry_jumppad:
0x0: {  	(pc) =	sbr.rel $0x88, $3  }
0x1: {  	(tag) =	ssettag $0x0;
	lr =	simm.s32 $0x1  }
0x2: {  	[smem:$0x3F9F] =	sst lr;
	_ =	strace $0xD0000000  }
0x3: {  	_ = 	snop  }
0x4: {  	_ = 	snop  }
0x5: {  	_ = 	snop  }
0x6: {  	_ = 	snop  }
0x7: {  	_ = 	snop  }
__scs_overlays_trampoline_lowered:
0x8: {  	[smem:$0x3FAE] =	sst s0  }
0x9: {  	[smem:$0x3FAF] =	sst s1  }
0xa: {  	[smem:$0x3FB0] =	sst s2  }
0xb: {  	[smem:$0x3FB1] =	sst s3  }
0xc: {  	[smem:$0x3FB2] =	sst s4  }
0xd: {  	[smem:$0x3FB3] =	sst s5  }
0xe: {  	[smem:$0x3FB4] =	sst s6  }
0xf: {  	[smem:$0x3FB5] =	sst s7  }
0x10: {  	[smem:$0x3FB6] =	sst s8  }
0x11: {  	[smem:$0x3FB7] =	sst s9;
	s0 =	simm.s32 @!p0 $0x0  }
0x12: {  	s1 =	sld [smem:$0x3F9D];
	s0 =	simm.s32 @p0 $0x1  }
0x13: {  	[smem:$0x3FB8] =	sst s0;
	s0 =	simm.s32 @!p1 $0x0  }
0x14: {  	s2 =	sld [smem:$0x3F9C];
	s0 =	simm.s32 @p1 $0x1  }
0x15: {  	[smem:$0x3FB9] =	sst s0;
	s0 =	simm.s32 @!p2 $0x0  }
0x16: {  	s3 =	sld [smem:$0x3FDB];
	s0 =	simm.s32 @p2 $0x1  }
0x17: {  	s4 =	simm.s32 $0x1BF5;
	[smem:$0x3FBB] =	sst s0  }
0x18: {  	s0 =	sld [smem:$0x3F9E];
	_ =	swait.ge [sflag:s4], $0x0  }
0x19: {  	s7 =	sld [smem:$0x3F9F]  }
0x1a: {  	s8 =	sadd.s32 $0xFFFFE003, lr  }
0x1b: {  	s9 =	sadd.s32 $0xFFFFFEF7, lr;
	s5 =	simm.s32 $0xFFFFFFFF;
	p2 =	slt.u32 s8, $0xFFFFF086  }
0x1c: {  	p1 =	slt.u32 s9, $0xF7A;
	s5 =	simm.s32 @!p2 $0x0  }
0x1d: {  	s5 =	simm.s32 @p1 $0x1;
	p0 =	seq.s32 s7, s2  }
0x1e: {  	s7 =	smul.u32 @!p0 $0xF7A, s2;
	p2 =	seq.s32 @!p0 s5, $0x0  }
0x1f: {  	s9 =	smul.u32 $0xF7A, s1;
	s8 =	simm.s32 @!p0 $0x1BF5;
	p2 =	por !p2, p0  }
0x20: {  	[sflag:s8] =	ssyncset.s32 @!p0 $0xFFFFF086;
	s6 =	sadd.s32 @!p0 s3, s7;
	s7 =	simm.s32 @!p0 $0x108  }
0x21: {  	s3 =	sadd.s32 s3, s9;
	s6 =	sadd.s32 @!p0 $0x88, s6;
	s7 =	simm.s32 @p2 $0x1082  }
0x22: {  	[simem:s7], [sflag:s8] =	dma.local @!p0 [hbm:s6], $0xF7A  }
0x23: {  	s9 =	sor.u32 $0xD0000000, s2;
	s6 =	simm.s32 $0x108;
	_ =	swait.ge @!p0 [sflag:s8], $0x0  }
0x24: {  	s3 =	sadd.s32 $0x88, s3;
	s6 =	simm.s32 @!p1 $0x1082;
	[sflag:s4] =	ssyncset.s32 $0xFFFFF086  }
0x25: {  	[simem:s6], [sflag:s4] =	dma.local [hbm:s3], $0xF7A  }
0x26: {  	[smem:$0x3F9F] =	sst s1;
	(tag) =	ssettag s2;
	_ =	strace s9  }
0x27: {  	s1 =	sld [smem:$0x3FAF]  }
0x28: {  	s2 =	sld [smem:$0x3FB0]  }
0x29: {  	s4 =	sld [smem:$0x3FB2]  }
0x2a: {  	p0 =	seq.s32 s5, $0x0;
	s5 =	sld [smem:$0x3FB3]  }
0x2b: {  	s6 =	sld [smem:$0x3FB4]  }
0x2c: {  	s7 =	sld [smem:$0x3FB5]  }
0x2d: {  	s3 =	simm.s32 $0x108;
	s8 =	sld [smem:$0x3FB6]  }
0x2e: {  	s3 =	simm.s32 @!p0 $0x1082;
	s9 =	sld [smem:$0x3FB7]  }
0x2f: {  	lr =	sadd.s32 s0, s3;
	s0 =	sld [smem:$0x3FAE]  }
0x30: {  	s3 =	sld [smem:$0x3FB1]  }
0x31: {  	[smem:$0x3FBA] =	sst s10  }
0x32: {  	s10 =	sld [smem:$0x3FB8];
	_ =	sdelay $0x3  }
0x33: {  	p0 =	seq.s32 s10, $0x1;
	s10 =	sld [smem:$0x3FBA];
	_ =	sdelay $0x3  }
0x34: {  	[smem:$0x3FBA] =	sst s10  }
0x35: {  	s10 =	sld [smem:$0x3FB9];
	_ =	sdelay $0x3  }
0x36: {  	p1 =	seq.s32 s10, $0x1;
	s10 =	sld [smem:$0x3FBA];
	_ =	sdelay $0x3  }
0x37: {  	[smem:$0x3FBA] =	sst s10  }
0x38: {  	s10 =	sld [smem:$0x3FBB]  }
0x39: {  	_ = 	snop;
	(pc) =	sbr.ind lr, $3  }
0x3a: {  	_ = 	snop  }
0x3b: {  	_ = 	snop  }
0x3c: {  	p2 =	seq.s32 s10, $0x1;
	s10 =	sld [smem:$0x3FBA]  }
0x3d: {  	_ =	shalt  }
0x3e: {  	_ =	shalt  }
0x3f: {  	_ =	shalt  }
0x40: {  	_ =	shalt  }
0x41: {  	_ =	shalt  }
0x42: {  	_ =	shalt  }
0x43: {  	_ =	shalt  }
0x44: {  	_ =	shalt  }
0x45: {  	_ =	shalt  }
0x46: {  	_ =	shalt  }
0x47: {  	_ =	shalt  }
0x48: {  	_ =	shalt  }
0x49: {  	_ =	shalt  }
0x4a: {  	_ =	shalt  }
0x4b: {  	_ =	shalt  }
0x4c: {  	_ =	shalt  }
0x4d: {  	_ =	shalt  }
0x4e: {  	_ =	shalt  }
0x4f: {  	_ =	shalt  }
0x50: {  	_ =	shalt  }
0x51: {  	_ =	shalt  }
0x52: {  	_ =	shalt  }
0x53: {  	_ =	shalt  }
0x54: {  	_ =	shalt  }
0x55: {  	_ =	shalt  }
0x56: {  	_ =	shalt  }
0x57: {  	_ =	shalt  }
0x58: {  	_ =	shalt  }
0x59: {  	_ =	shalt  }
0x5a: {  	_ =	shalt  }
0x5b: {  	_ =	shalt  }
0x5c: {  	_ =	shalt  }
0x5d: {  	_ =	shalt  }
0x5e: {  	_ =	shalt  }
0x5f: {  	_ =	shalt  }
0x60: {  	_ =	shalt  }
0x61: {  	_ =	shalt  }
0x62: {  	_ =	shalt  }
0x63: {  	_ =	shalt  }
0x64: {  	_ =	shalt  }
0x65: {  	_ =	shalt  }
0x66: {  	_ =	shalt  }
0x67: {  	_ =	shalt  }
0x68: {  	_ =	shalt  }
0x69: {  	_ =	shalt  }
0x6a: {  	_ =	shalt  }
0x6b: {  	_ =	shalt  }
0x6c: {  	_ =	shalt  }
0x6d: {  	_ =	shalt  }
0x6e: {  	_ =	shalt  }
0x6f: {  	_ =	shalt  }
0x70: {  	_ =	shalt  }
0x71: {  	_ =	shalt  }
0x72: {  	_ =	shalt  }
0x73: {  	_ =	shalt  }
0x74: {  	_ =	shalt  }
0x75: {  	_ =	shalt  }
0x76: {  	_ =	shalt  }
0x77: {  	_ =	shalt  }
0x78: {  	_ =	shalt  }
0x79: {  	_ =	shalt  }
0x7a: {  	_ =	shalt  }
0x7b: {  	_ =	shalt  }
0x7c: {  	_ =	shalt  }
0x7d: {  	_ =	shalt  }
0x7e: {  	_ =	shalt  }
0x7f: {  	_ =	shalt  }
0x80: {  	_ =	shalt  }
0x81: {  	_ =	shalt  }
0x82: {  	_ =	shalt  }
0x83: {  	_ =	shalt  }
0x84: {  	_ =	shalt  }
0x85: {  	_ =	shalt  }
0x86: {  	_ =	shalt  }
0x87: {  	_ =	shalt  }
.Lfunc_end0:
.L_simem_size_0:
called_computation_lowered:
.L_overlay_start_0:
0x88: {  	s2 =	sld [smem:$0x3FD9]  }
0x89: {  	s3 =	sld [smem:$0x3FFE];
	_ =	sdelay $0x1  }
0x8a: {  	s1 =	srdreg.scid  }
0x8b: {  	s0 =	sand.u32 $0x1, s1  }
0x8c: {  	s17 =	sshll.u32 s0, $0xA;
	s2 =	sadd.s32 s3, s2  }
0x8d: {  	s2 =	sadd.s32 s2, s17  }
0x8e: {  	[smem:$0x3FC6] =	sst s2  }
0x8f: {  	_ = 	snop  }
0x90: {  	s2 =	sld [smem:$0x3FC8]  }
0x91: {  	s18 =	sld [smem:$0x3FD0];
	(tm) =	ssettm $0x1  }
0x92: {  	s4 =	sld [smem:$0x3FFB];
	_ =	sdelay $0x3  }
0x93: {  	_ =	strace s4  }
0x94: {  	s4 =	sld [smem:$0x3FFC];
	_ =	sdelay $0x3  }
0x95: {  	_ =	strace s4  }
0x96: {  	s4 =	sld [smem:$0x3FFD];
	_ =	sdelay $0x3  }
0x97: {  	_ =	strace s4  }
0x98: {  	_ =	strace $0x8FFFFFFF  }
0x99: {  	s19 =	sld [smem:$0x3FDB];
	_ =	sdelay $0x1  }
0x9a: {  	s5 =	simm.s32 $_scs_section_size  }
0x9b: {  	s6 =	simm.s32 $_size__tile_overlayer_lowered;
	s7 =	simm.s32 $_tile_overlayer_lowered  }
0x9c: {  	s22 =	simm.s32 $0x1BFF;
	s21 =	sshll.u32 s7, $0x1;
	s4 =	sadd.s32 s5, s19  }
0x9d: {  	s8 =	simm.s32 $0x0;
	s20 =	sshll.u32 s6, $0x1;
	s6 =	sadd.s32 s21, s4  }
0x9e: {  	[timem:s8], [sflag:s22] =	dma.local [hbm:s6], s20  }
0x9f: {  	_ =	swait.ge [sflag:s22], s20  }
0xa0: {  	s5 =	ssub.s32 $0x0, s20;
	[sflag:s22] =	ssyncset.done $0x0  }
0xa1: {  	[sflag:s22] =	ssyncadd.s32 s5;
	_ =	sdelay $0x1  }
0xa2: {  	s23 =	simm.s32 $0x1B8B  }
0xa3: {  	_ =	swait.ge [sflag:s23], $0x1  }
0xa4: {  	[sflag:s23] =	ssyncset.done $0x0  }
0xa5: {  	s25 =	simm.s32 $0x1B8E;
	s24 =	sld [smem:$0x3FFE];
	[sflag:s23] =	ssyncadd.s32 $0xFFFFFFFF  }
0xa6: {  	s26 =	simm.s32 $execute0_lowered;
	[smem:$0x3FD2] =	sst s25  }
0xa7: {  	s6 =	sshll.u32 s26, $0x1;
	_ =	strace $0x80000046;
	[dreg:$0x1] =	wrdreg $0xFFFFFFFF  }
0xa8: {  	s28 =	simm.s32 $_size_execute0_lowered;
	s4 =	sadd.s32 s4, s6;
	[dreg:$0x0] =	wrdreg $0x0  }
0xa9: {  	s6 =	sshll.u32 s28, $0x1;
	[dreg:$0x2] =	wrdreg s4  }
0xaa: {  	[dreg:$0x3] =	wrdreg s6  }
0xab: {  	[dreg:$0x4] =	wrdreg $0xC0  }
0xac: {  	_ =	task [dreg:s8], $0x5FFFF  }
0xad: {  	[dreg:$0x1] =	wrdreg $0xFFFFFFFF  }
0xae: {  	[dreg:$0x0] =	wrdreg $0x60  }
0xaf: {  	[dreg:$0x2] =	wrdreg s24  }
0xb0: {  	[dreg:$0x3] =	wrdreg s2  }
0xb1: {  	[dreg:$0x4] =	wrdreg s18  }
0xb2: {  	[dreg:$0x5] =	wrdreg $0x1CC800  }
0xb3: {  	[dreg:$0x6] =	wrdreg $0x9  }
0xb4: {  	_ =	task.clear_ibuf [dreg:s8], $0x7FFFF;
	_ =	strace $0x90000046  }
0xb5: {  	s29 =	simm.s32 $0x9;
	_ =	strace $0x80000048  }
0xb6: {  	_ =	swait.ge [sflag:s29], $0x1  }
0xb7: {  	[sflag:s29] =	ssyncadd.s32 $0xFFFFFFFF  }
0xb8: {  	_ =	strace $0x90000048  }
0xb9: {  	_ =	sfence  }
0xba: {  	s30 =	sld [smem:$0x0];
	_ =	sdelay $0x2  }
0xbb: {  	s31 =	sshll.u32 s1, $0xD;
	s1 =	sshrl.u32 s1, $0x2  }
0xbc: {  	s3 =	sand.u32 $0x4000, s31;
	s1 =	sadd.s32 s1, s30  }
0xbd: {  	s0 =	sor.u32 s3, s0;
	s1 =	sshll.u32 s1, $0x11  }
0xbe: {  	s0 =	sor.u32 s1, s0  }
0xbf: {  	s0 =	sadd.s32 $0x8F2B, s0  }
0xc0: {  	[sflag:s0] =	ssyncadd.remote.s32 $0x1  }
0xc1: {  	_ =	sfence.sel $0xFFFF  }
0xc2: {  	[dreg:$0x0] =	wrdreg $0xFFFFFFFF;
	(pc) =	sbr.abs _section_cstart, $3  }
0xc3: {  	[dreg:$0x1] =	wrdreg $0xFFFFFFFF  }
0xc4: {  	_ =	task.clear_ibuf [dreg:s8], $0x2FFFF;
	_ =	strace $0x9FFFFFFF  }
0xc5: {  	(tm) =	ssettm $0x7FFFFFFF  }
tec
execute0_lowered:
.L_overlay_start_1:
0x0: {  	(tag) =	ssettag $0x1  }
0x1: {  	s6 =	rddreg [dreg:$0x0]  }
0x2: {  	s0 =	rddreg [dreg:$0x1]  }
0x3: {  	s1 =	rddreg [dreg:$0x2];
	s2 =	srdreg.scid  }
0x4: {  	s8 =	stileid.u32;
	s3 =	rddreg [dreg:$0x3];
	s12 =	simm.s32 $0xC80  }
0x5: {  	s13 =	simm.s32 $0x4480;
	s14 =	simm.s32 $0xE0;
	s15 =	simm.s32 $0x7C80  }
0x6: {  	s16 =	simm.s32 $0x150;
	s17 =	simm.s32 $0xB480;
	s18 =	simm.s32 $0x0  }
0x7: {  	s5 =	sand.u32 $0x1, s2;
	s4 =	sshll.u32 s8, $0x1;
	s2 =	rddreg [dreg:$0x4]  }
0x8: {  	p0 =	sne.s32 s8, $0x0;
	s8 =	sadd.s32 $0x186400, s1;
	s11 =	sor.u32 s5, s4  }
.Ltmp0:
0x9: {  	s4 =	simm.s32 $0x0;
	s5 =	ssub.s32 $0x2, s5;
	(pc) =	sbr.rel .LBB2_1-.Ltmp0, $4  }
0xa: {  	s10 =	sshrl.u32 @!p0 s3, $0x3;
	s7 =	smul.u32 $0x188, s11;
	[smem:$0x7FF] =	sst s4  }
0xb: {  	s9 =	sshrl.u32 s5, $0x1;
	p1 =	seq.s32 s11, $0x1F;
	_ =	strace $0x80000047  }
0xc: {  	s9 =	ssub.s32 s5, s9;
	s5 =	sadd.s32 s6, s7;
	s6 =	sadd.s32 $0x2F78, s6  }
0xd: {  	s7 =	smul.u32 $0x7, s11;
	s9 =	smax.u32 s9, $0x1;
	s11 =	simm.s32 $0x70  }
.LBB2_5:
0xe: {  	s19 =	simm.s32 @p1 $0x2;
	s18 =	sadd.s32 $0x1, s18  }
0xf: {  	_ =	swait.ge @p1 [sflag:s19], $0x3000;
	p2 =	sne.s32 s18, s9  }
.Ltmp1:
0x10: {  	[sflag:s19] =	ssyncset.done @p1 $0x0;
	(pc) =	sbr.rel @!p2 .LBB2_6-.Ltmp1, $4  }
0x11: {  	[sflag:s19] =	ssyncadd.s32 @p1 $0xFFFFD000;
	s19 =	simm.s32 @!p1 $0x2  }
0x12: {  	_ =	swait.ge @!p1 [sflag:s19], $0xE000  }
0x13: {  	[sflag:s19] =	ssyncset.done @!p1 $0x0  }
0x14: {  	[sflag:s19] =	ssyncadd.s32 @!p1 $0xFFFF2000  }
.LBB2_1:
0x15: {  	s19 =	simm.s32 @!p0 $0x1C03  }
0x16: {  	[spmem:s10], [sflag:s19] =	dma.local @!p0 [hbm:s0], $0x1C0  }
0x17: {  	s19 =	simm.s32 @!p0 $0x3  }
0x18: {  	_ =	swait.ge @!p0 [sflag:s19], $0x1C0  }
0x19: {  	[sflag:s19] =	ssyncset.done @!p0 $0x0  }
0x1a: {  	[sflag:s19] =	ssyncadd.s32 @!p0 $0xFFFFFE40;
	s19 =	simm.s32 @p1 $0x0  }
0x1b: {  	[tilespmem:s19], [sflag:$0x3] =	stream.linear.gather @p1 [hbm4b:s6+s19], $0xAE0, $0x38;
	[tilespmem:$0x1CD60] =	vst v63  }
0x1c: {  	s19 =	simm.s32 @p1 $0x3  }
0x1d: {  	_ =	swait.ge @p1 [sflag:s19], $0xAE0  }
0x1e: {  	[sflag:s19] =	ssyncset.done @p1 $0x0  }
0x1f: {  	[sflag:s19] =	ssyncadd.s32 @p1 $0xFFFFF520;
	s19 =	simm.s32 @!p1 $0x0  }
0x20: {  	[tilespmem:s19], [sflag:$0x3] =	stream.linear.gather @!p1 [hbm4b:s5+s19], $0xC40, $0x38;
	[tilespmem:$0x1CD60] =	vst v63  }
0x21: {  	s19 =	simm.s32 @!p1 $0x3  }
0x22: {  	_ =	swait.ge @!p1 [sflag:s19], $0xC40  }
0x23: {  	[sflag:s19] =	ssyncset.done @!p1 $0x0  }
0x24: {  	[sflag:s19] =	ssyncadd.s32 @!p1 $0xFFFFF3C0  }
0x25: {  	[bflag:$0x0] =	sbarrier.arrive $0xFFFF  }
0x26: {  	[tilespmem:s12], [sflag:$0x1] =	stream.indirect.gather [spmem:s3], $0x80, s4, s11, $0xb8;
	[tilespmem:$0x1CD60] =	vst v63  }
0x27: {  	_ = 	snop  }
0x28: {  	[tilespmem:s13], [sflag:$0x1] =	stream.indirect.gather [spmem:s3], $0x80, s11, s11, $0xb8;
	[tilespmem:$0x1CD60] =	vst v63  }
.Ltmp2:
0x29: {  	_ = 	snop;
	(pc) =	sbr.rel .LBB2_2-.Ltmp2, $4  }
0x2a: {  	_ = 	snop  }
0x2b: {  	[tilespmem:s15], [sflag:$0x1] =	stream.indirect.gather [spmem:s3], $0x80, s14, s11, $0xb8;
	[tilespmem:$0x1CD60] =	vst v63  }
0x2c: {  	s22 =	simm.s32 $0x0  }
0x2d: {  	[tilespmem:s17], [sflag:$0x1] =	stream.indirect.gather [spmem:s3], $0x80, s16, s11, $0xb8;
	[tilespmem:$0x1CD60] =	vst v63  }
.LBB2_4:
0x2e: {  	p5 =	por @p2 $0x0, $0x0;
	p4 =	por @!p4 $0x1, $0x1;
	s22 =	smul.u32 @!p2 $0x38000, s21  }
0x2f: {  	p3 =	por !p3, !p2;
	s19 =	smul.u32 @!p2 $0x1C00, s19;
	s23 =	simm.s32 @!p2 $0x0  }
0x30: {  	p4 =	por @!p3 p5, p5;
	p3 =	por @!p2 $0x0, $0x0;
	s22 =	sshrl.u32 @!p2 s22, $0x2  }
0x31: {  	p4 =	por @!p2 p3, p3;
	s19 =	sadd.s32 @!p2 s1, s19;
	s22 =	sor.u32 @!p2 $0xC80, s22  }
0x32: {  	[hbm4b:s19+s23] =	stream.linear.scatter @!p2 [tilespmem:s22], [sflag:$0x2], $0xE000, $0x38;
	[tilespmem:$0x1CD60] =	vst v63  }
0x33: {  	s21 =	smul.u32 @p4 $0x38000, s21;
	p2 =	slt.u32 s20, $0x7  }
.Ltmp3:
0x34: {  	_ = 	snop;
	(pc) =	sbr.rel @!p2 .LBB2_5-.Ltmp3, $4  }
0x35: {  	_ = 	snop  }
0x36: {  	s19 =	sshrl.u32 @p4 s21, $0x2  }
0x37: {  	s22 =	smov.u32 s20;
	s21 =	simm.s32 @p4 $0x0;
	s19 =	sor.u32 @p4 $0xC80, s19  }
0x38: {  	[hbm4b:s8+s21] =	stream.linear.scatter @p4 [tilespmem:s19], [sflag:$0x2], $0x3000, $0x38;
	[tilespmem:$0x1CD60] =	vst v63  }
.LBB2_2:
0x39: {  	s19 =	sadd.s32 s7, s22  }
0x3a: {  	p2 =	sgt.u32 s19, $0xDE  }
0x3b: {  	p3 =	sne.s32 @p2 s19, $0xDF  }
0x3c: {  	p4 =	por p3, !p2  }
0x3d: {  	s20 =	simm.s32 @!p4 $0x1  }
0x3e: {  	_ =	swait.ge @!p4 [sflag:s20], $0x3000  }
0x3f: {  	p5 =	seq.s32 s22, $0x0;
	[sflag:s20] =	ssyncset.done @!p4 $0x0  }
0x40: {  	p6 =	seq.s32 @!p5 s22, $0x6;
	[sflag:s20] =	ssyncadd.s32 @!p4 $0xFFFFD000;
	s20 =	simm.s32 @!p2 $0x1  }
0x41: {  	p6 =	por p5, !p6;
	_ =	swait.ge @!p2 [sflag:s20], $0xE000  }
.Ltmp4:
0x42: {  	[sflag:s20] =	ssyncset.done @!p2 $0x0;
	(pc) =	sbr.rel @!p6 .LBB2_4-.Ltmp4, $4  }
0x43: {  	[sflag:s20] =	ssyncadd.s32 @!p2 $0xFFFF2000;
	s20 =	simm.s32 @!p5 $0x2  }
0x44: {  	_ =	swait.ge @!p5 [sflag:s20], $0xE000  }
0x45: {  	[sflag:s20] =	ssyncset.done @!p5 $0x0  }
0x46: {  	s21 =	sand.u32 $0x1, s22;
	[sflag:s20] =	ssyncadd.s32 @!p5 $0xFFFF2000;
	s20 =	simm.s32 @!p5 $0x7  }
0x47: {  	s20 =	sadd.s32 @!p5 $0x1, s22  }
0x48: {  	s20 =	simm.s32 @p5 $0x1  }
0x49: {  	s22 =	sadd.s32 s7, s20  }
0x4a: {  	p5 =	sgt.u32 s22, $0xDE  }
0x4b: {  	p6 =	sne.s32 @p5 s22, $0xDF  }
0x4c: {  	s22 =	sxor.u32 $0x1, s21;
	p6 =	por p6, !p5  }
0x4d: {  	s23 =	smul.u32 @!p6 $0x38000, s22  }
0x4e: {  	s24 =	smul.u32 @!p6 $0x700, s20  }
0x4f: {  	s25 =	simm.s32 @!p6 $0x60;
	s23 =	sshrl.u32 @!p6 s23, $0x2  }
0x50: {  	s22 =	smul.u32 @!p5 $0x38000, s22;
	s24 =	sshra.s32 @!p6 s24, $0x2;
	s23 =	sor.u32 @!p6 $0xC80, s23  }
0x51: {  	[tilespmem:s23], [sflag:$0x1] =	stream.indirect.gather @!p6 [spmem:s3], $0x80, s24, s25, $0xb8;
	[tilespmem:$0x1CD60] =	vst v63  }
0x52: {  	s23 =	smul.u32 @!p5 $0x700, s20  }
0x53: {  	s22 =	sshrl.u32 @!p5 s22, $0x2  }
0x54: {  	s24 =	sor.u32 @!p5 $0xC80, s22;
	s25 =	simm.s32 @!p5 $0x70;
	s23 =	sshra.s32 @!p5 s23, $0x2  }
0x55: {  	[tilespmem:s24], [sflag:$0x1] =	stream.indirect.gather @!p5 [spmem:s3], $0x80, s23, s25, $0xb8;
	[tilespmem:$0x1CD60] =	vst v63  }
0x56: {  	s24 =	sadd.s32 @!p5 $0x4480, s22;
	s26 =	sadd.s32 @!p5 $0x70, s23  }
0x57: {  	[tilespmem:s24], [sflag:$0x1] =	stream.indirect.gather @!p5 [spmem:s3], $0x80, s26, s25, $0xb8;
	[tilespmem:$0x1CD60] =	vst v63  }
.Ltmp5:
0x58: {  	_ = 	snop;
	(pc) =	sbr.rel .LBB2_4-.Ltmp5, $4  }
0x59: {  	s24 =	sadd.s32 @!p5 $0x7C80, s22;
	s26 =	sadd.s32 @!p5 $0xE0, s23  }
0x5a: {  	[tilespmem:s24], [sflag:$0x1] =	stream.indirect.gather @!p5 [spmem:s3], $0x80, s26, s25, $0xb8;
	[tilespmem:$0x1CD60] =	vst v63  }
0x5b: {  	s22 =	sadd.s32 @!p5 $0xB480, s22;
	s23 =	sadd.s32 @!p5 $0x150, s23  }
0x5c: {  	[tilespmem:s22], [sflag:$0x1] =	stream.indirect.gather @!p5 [spmem:s3], $0x80, s23, s25, $0xb8;
	[tilespmem:$0x1CD60] =	vst v63  }
.LBB2_6:
0x5d: {  	_ =	sfence.sel $0x180000  }
0x5e: {  	[bflag:$0x0] =	sbarrier.arrive $0xFFFF  }
0x5f: {  	_ =	strace $0x90000047  }
0x60: {  	s0 =	sadd.s32 @!p0 $0x100000, s2;
	[bflag:$0x2] =	sbarrier.arrive $0xFFFF  }
0x61: {  	[sflag:s0] =	ssyncadd.tile.s32 @!p0 $0x1;
	_ =	shalt  }
.Lfunc_end2:
_tile_overlayer_lowered:
.L_overlay_start_2:
0x62: {  	(tag) =	ssettag $0x2  }
0x63: {  	s0 =	rddreg [dreg:$0x0];
	s2 =	stileid.u32  }
0x64: {  	s1 =	rddreg [dreg:$0x1];
	p0 =	sne.s32 s2, $0x0  }
0x65: {  	s3 =	rddreg [dreg:$0x2];
	[bflag:$0x3] =	sbarrier.arrive $0xFFFF;
	s2 =	simm.s32 @!p0 $0x1C03  }
0x66: {  	[timem:s3], [sflag:s2] =	dma.local @!p0 [hbm:s0], s1  }
0x67: {  	s0 =	simm.s32 @!p0 $0x3  }
0x68: {  	_ =	swait.ge @!p0 [sflag:s0], s1  }
0x69: {  	s1 =	ssub.s32 @!p0 $0x0, s1;
	[sflag:s0] =	ssyncset.done @!p0 $0x0  }
0x6a: {  	[sflag:s0] =	ssyncadd.s32 @!p0 s1  }
0x6b: {  	[bflag:$0x3] =	sbarrier.arrive $0xFFFF  }
0x6c: {  	_ =	shalt  }

</sc_bundles>
